<compile_context>
chip_gen: v7x
topology: tpu7x:2x2x1
jax: 0.10.2.dev20260603
libtpu: 0.0.44.dev20260713+nightly
codegen_flags: <defaults>
</compile_context>

<pallas_src>
import functools

import jax
import jax.numpy as jnp
from jax.experimental import pallas as pl
from jax.experimental.pallas import tpu as pltpu
from jax.experimental.pallas import tpu_sc as plsc

_B = 16384
_F = 100
_NF = 26
_D = 16
_FD = _F * _D
_BT = 2048
_FP = 128


@functools.partial(
    pl.kernel,
    mesh=plsc.VectorSubcoreMesh(core_axis_name="c", subcore_axis_name="s"),
    out_type=jax.ShapeDtypeStruct((_FP, 128), jnp.float32),
    scratch_types=[
        pltpu.VMEM((8,), jnp.int32),
        pltpu.VMEM((8, 128), jnp.float32),
        pltpu.SemaphoreType.DMA,
    ],
)
def _sc_gather(v_hbm, fi_hbm, out_hbm, idx_v, rows_v, sem):
    wid = jax.lax.axis_index("s") * 2 + jax.lax.axis_index("c")

    @pl.when(wid < _FP // 8)
    def _():
        base = wid * 8
        pltpu.sync_copy(fi_hbm.at[pl.ds(base, 8)], idx_v)
        pltpu.async_copy(v_hbm.at[idx_v], rows_v, sem).wait()
        pltpu.sync_copy(rows_v, out_hbm.at[pl.ds(base, 8)])


def _fm_kernel(x_ref, w_ref, e_ref, yfm_ref, out_ref, pt_ref, a_ref):
    @pl.when(pl.program_id(0) == 0)
    def _init():
        embeds_t = jnp.transpose(e_ref[...], (1, 0))[:_D, :_F]
        j_iota = jax.lax.broadcasted_iota(jnp.int32, (_FD, _D), 0)
        d_iota = jax.lax.broadcasted_iota(jnp.int32, (_FD, _D), 1)
        tm_t = (j_iota % _D == d_iota).astype(jnp.float32)
        emb_rows = jnp.dot(tm_t, embeds_t,
                           preferred_element_type=jnp.float32)
        jf = jax.lax.broadcasted_iota(jnp.int32, (_FD, _F), 0) // _D
        f_iota = jax.lax.broadcasted_iota(jnp.int32, (_FD, _F), 1)
        pt_ref[...] = jnp.where(jf == f_iota, emb_rows, 0.0).astype(jnp.bfloat16)
        esum = jnp.sum(embeds_t, axis=0, keepdims=True)
        esq = jnp.sum(embeds_t * embeds_t, axis=0, keepdims=True)
        a_ref[...] = jnp.concatenate([esum, esq], axis=0)

    xt = x_ref[...]
    out_ref[...] = jnp.dot(pt_ref[...], xt.astype(jnp.bfloat16),
                           preferred_element_type=jnp.float32)
    ws = jnp.concatenate([w_ref[...], a_ref[0:1, :]], axis=0)
    m1 = jnp.dot(ws, xt, preferred_element_type=jnp.float32)
    q = jnp.dot(a_ref[1:2, :], xt * xt,
                preferred_element_type=jnp.float32)
    inter = 0.5 * (m1[1:2, :] * m1[1:2, :] - q)
    yfm_ref[...] = jnp.concatenate([m1[0:1, :], inter], axis=0)


@jax.jit
def kernel(inputs, w, V, field_index):
    w_row = w.reshape(1, _F)
    x_t = inputs.T
    fi_pad = jnp.pad(field_index, (0, _FP - _F))
    v_pad = jnp.pad(V, ((0, 0), (0, 128 - _D)))
    embeds = _sc_gather(v_pad, fi_pad)
    yfm_t, out_t = pl.pallas_call(
        _fm_kernel,
        grid=(_B // _BT,),
        in_specs=[
            pl.BlockSpec((_F, _BT), lambda i: (0, i)),
            pl.BlockSpec((1, _F), lambda i: (0, 0)),
            pl.BlockSpec((_FP, 128), lambda i: (0, 0)),
        ],
        out_specs=[
            pl.BlockSpec((2, _BT), lambda i: (0, i)),
            pl.BlockSpec((_FD, _BT), lambda i: (0, i)),
        ],
        out_shape=[
            jax.ShapeDtypeStruct((2, _B), jnp.float32),
            jax.ShapeDtypeStruct((_FD, _B), jnp.float32),
        ],
        scratch_shapes=[
            pltpu.VMEM((_FD, _F), jnp.bfloat16),
            pltpu.VMEM((2, _F), jnp.float32),
        ],
        compiler_params=pltpu.CompilerParams(
            dimension_semantics=("arbitrary",),
        ),
    )(x_t, w_row, embeds)
    y_fm = yfm_t.T
    new_inputs = out_t.reshape(_F, _D, _B).transpose(2, 0, 1)
    return y_fm, new_inputs

# --- scband reference (transcript-rebuilt; emitter-appended) ---
"""Pipeline reference for scband-fmlayer-65171833750245 (READ-ONLY COPY).

The authoritative reference and input builder live on the scoring server;
editing this copy changes nothing except your own understanding.
"""

import jax, jax.numpy as jnp
import numpy as np

BATCH = 16384
NUM_FEATURE = 100
NUM_FIELD = 26
EMBED = 16


def setup_inputs(seed: int = 0) -> dict:
    key = jax.random.key(seed)
    k1, k2, k3 = jax.random.split(key, 3)
    inputs = jax.random.normal(k1, (BATCH, NUM_FEATURE), dtype=jnp.float32)
    w = jax.random.normal(k2, (NUM_FEATURE,), dtype=jnp.float32)
    V = jax.random.normal(k3, (NUM_FIELD, EMBED), dtype=jnp.float32)
    field_index = (jnp.arange(NUM_FEATURE) % NUM_FIELD).astype(jnp.int32)
    return {"inputs": inputs, "w": w, "V": V, "field_index": field_index}


def reference(inputs, w, V, field_index):
    # x_batch: [B, F, 1]
    x_batch = jnp.reshape(inputs, (-1, NUM_FEATURE, 1))
    # embedding lookup: map each feature to its field embedding -> [F, D]
    embeds = jnp.take(V, field_index, axis=0)
    # broadcast multiply -> [B, F, D]
    new_inputs = x_batch * embeds
    # linear term: sum_f w_f * x_f -> [B]
    linear_terms = jnp.sum(w * inputs, axis=1)
    # FM second-order interactions: 0.5 * ((sum e)^2 - sum e^2) over feature & embed dims
    interactions = 0.5 * (
        jnp.square(jnp.sum(new_inputs, axis=(1, 2)))
        - jnp.sum(jnp.square(new_inputs), axis=(1, 2))
    )
    linear_terms = jnp.reshape(linear_terms, (-1, 1))
    interactions = jnp.reshape(interactions, (-1, 1))
    y_fm = jnp.concatenate([linear_terms, interactions], axis=1)
    return (y_fm, new_inputs)

if __name__ == "__main__":
    import jax
    _d = setup_inputs()
    print(jax.jit(kernel)(*tuple(_d.values())))

</pallas_src>

<mosaic_0001>
#map = affine_map<(d0, d1) -> (0, 0)>
#map1 = affine_map<(d0, d1) -> (0)>
module attributes {stable_mosaic.version = 14 : i64} {
  func.func @_sc_gather(%arg0: i32, %arg1: i32, %arg2: memref<26x128xf32, #tpu.memory_space<hbm>>, %arg3: memref<128xi32, #tpu.memory_space<hbm>>, %arg4: memref<128x128xf32, #tpu.memory_space<hbm>>, %arg5: memref<8xi32, #tpu.memory_space<vmem>>, %arg6: memref<8x128xf32, #tpu.memory_space<vmem>>, %arg7: memref<!tpu.dma_semaphore, #tpu.memory_space<semaphore_mem>>) attributes {dimension_semantics = [#tpu.dimension_semantics<core_parallel>, #tpu.dimension_semantics<subcore_parallel>], iteration_bounds = array<i64: 2, 16>, scalar_prefetch = 0 : i64, scratch_operands = 3 : i64, tpu.core_type = #tpu.core_type<sc_vector_subcore>, window_params = [{transform_indices = #map}, {transform_indices = #map1}, {transform_indices = #map}]} {
    %mul3A = arith.constant 2 : i32
    %mul3A_0 = arith.muli %arg1, %mul3A : i32
    %add3A = arith.addi %mul3A_0, %arg0 : i32
    %lt3A = arith.constant 16 : i32
    %lt3A_1 = arith.cmpi slt, %add3A, %lt3A : i32
    %convert_element_type3A = arith.extui %lt3A_1 : i1 to i32
    %cond3A = arith.constant 0 : i32
    %cond3A_2 = arith.cmpi ne, %convert_element_type3A, %cond3A : i32
    scf.if %cond3A_2 {
      %mul3A_3 = arith.constant 8 : i32
      %mul3A_4 = arith.muli %add3A, %mul3A_3 : i32
      "tpu.region"() ({
        %run_scoped3A = tpu.sem_alloc : memref<!tpu.dma_semaphore, #tpu.memory_space<semaphore_mem>>
        %dma_start3A_9 = tpu.memref_slice %arg3[%mul3A_4] : memref<128xi32, #tpu.memory_space<hbm>> -> memref<8xi32, #tpu.memory_space<hbm>>
        %dma_start3A_10 = tpu.memref_slice %arg3[%mul3A_4] : memref<128xi32, #tpu.memory_space<hbm>> -> memref<8xi32, #tpu.memory_space<hbm>>
        tpu.enqueue_dma source(%dma_start3A_10 : memref<8xi32, #tpu.memory_space<hbm>>) target(%arg5 : memref<8xi32, #tpu.memory_space<vmem>>) target_semaphore(%run_scoped3A : memref<!tpu.dma_semaphore, #tpu.memory_space<semaphore_mem>>)
        %dma_wait3A_11 = tpu.memref_slice %arg3[%mul3A_4] : memref<128xi32, #tpu.memory_space<hbm>> -> memref<8xi32, #tpu.memory_space<hbm>>
        %dma_wait3A_12 = tpu.memref_slice %arg3[%mul3A_4] : memref<128xi32, #tpu.memory_space<hbm>> -> memref<8xi32, #tpu.memory_space<hbm>>
        tpu.wait_dma2 semaphore(%run_scoped3A : memref<!tpu.dma_semaphore, #tpu.memory_space<semaphore_mem>>) src(%dma_wait3A_12 : memref<8xi32, #tpu.memory_space<hbm>>) dst(%arg5 : memref<8xi32, #tpu.memory_space<vmem>>)
        tpu.yield
      }) : () -> ()
      %dma_start3A = arith.constant 0 : i32
      %dma_start3A_5 = arith.constant 0 : i32
      %dma_start3A_6 = tpu.memref_slice %arg2[%dma_start3A, %dma_start3A_5] : memref<26x128xf32, #tpu.memory_space<hbm>> -> memref<26x128xf32, #tpu.memory_space<hbm>>
      tpu.enqueue_indirect_dma source(%dma_start3A_6 : memref<26x128xf32, #tpu.memory_space<hbm>>) target(%arg6 : memref<8x128xf32, #tpu.memory_space<vmem>>) offsets(%arg5 : memref<8xi32, #tpu.memory_space<vmem>>) semaphore(%arg7 : memref<!tpu.dma_semaphore, #tpu.memory_space<semaphore_mem>>)
      %dma_wait3A = arith.constant 0 : i32
      %dma_wait3A_7 = arith.constant 0 : i32
      %dma_wait3A_8 = tpu.memref_slice %arg2[%dma_wait3A, %dma_wait3A_7] : memref<26x128xf32, #tpu.memory_space<hbm>> -> memref<26x128xf32, #tpu.memory_space<hbm>>
      tpu.wait_indirect_dma semaphore(%arg7 : memref<!tpu.dma_semaphore, #tpu.memory_space<semaphore_mem>>) src(%dma_wait3A_8 : memref<26x128xf32, #tpu.memory_space<hbm>>) dst(%arg6 : memref<8x128xf32, #tpu.memory_space<vmem>>)
      "tpu.region"() ({
        %run_scoped3A = tpu.sem_alloc : memref<!tpu.dma_semaphore, #tpu.memory_space<semaphore_mem>>
        %dma_start3A_9 = arith.constant 0 : i32
        %dma_start3A_10 = tpu.memref_slice %arg4[%mul3A_4, %dma_start3A_9] : memref<128x128xf32, #tpu.memory_space<hbm>> -> memref<8x128xf32, #tpu.memory_space<hbm>>
        %dma_start3A_11 = arith.constant 0 : i32
        %dma_start3A_12 = tpu.memref_slice %arg4[%mul3A_4, %dma_start3A_11] : memref<128x128xf32, #tpu.memory_space<hbm>> -> memref<8x128xf32, #tpu.memory_space<hbm>>
        tpu.enqueue_dma source(%arg6 : memref<8x128xf32, #tpu.memory_space<vmem>>) target(%dma_start3A_12 : memref<8x128xf32, #tpu.memory_space<hbm>>) target_semaphore(%run_scoped3A : memref<!tpu.dma_semaphore, #tpu.memory_space<semaphore_mem>>)
        %dma_wait3A_13 = arith.constant 0 : i32
        %dma_wait3A_14 = tpu.memref_slice %arg4[%mul3A_4, %dma_wait3A_13] : memref<128x128xf32, #tpu.memory_space<hbm>> -> memref<8x128xf32, #tpu.memory_space<hbm>>
        %dma_wait3A_15 = arith.constant 0 : i32
        %dma_wait3A_16 = tpu.memref_slice %arg4[%mul3A_4, %dma_wait3A_15] : memref<128x128xf32, #tpu.memory_space<hbm>> -> memref<8x128xf32, #tpu.memory_space<hbm>>
        tpu.wait_dma2 semaphore(%run_scoped3A : memref<!tpu.dma_semaphore, #tpu.memory_space<semaphore_mem>>) src(%arg6 : memref<8x128xf32, #tpu.memory_space<vmem>>) dst(%dma_wait3A_16 : memref<8x128xf32, #tpu.memory_space<hbm>>)
        tpu.yield
      }) : () -> ()
    } else {
    }
    return
  }
}

module attributes {stable_mosaic.version = 14 : i64} {
  func.func @_fm_kernel(%arg0: i32, %arg1: memref<100x2048xf32, #tpu.memory_space<vmem>>, %arg2: memref<1x100xf32, #tpu.memory_space<vmem>>, %arg3: memref<128x128xf32, #tpu.memory_space<vmem>>, %arg4: memref<2x2048xf32, #tpu.memory_space<vmem>>, %arg5: memref<1600x2048xf32, #tpu.memory_space<vmem>>, %arg6: memref<1600x100xbf16, #tpu.memory_space<vmem>>, %arg7: memref<2x100xf32, #tpu.memory_space<vmem>>) attributes {dimension_semantics = [#tpu.dimension_semantics<arbitrary>], iteration_bounds = array<i64: 8>, scalar_prefetch = 0 : i64, scratch_operands = 2 : i64, tpu.core_type = #tpu.core_type<tc>, window_params = [{transform_indices = @transform_0, window_bounds = array<i64: 100, 2048>}, {pipeline_mode = #tpu.pipeline_mode<synchronous>, transform_indices = @transform_1, window_bounds = array<i64: 1, 100>}, {pipeline_mode = #tpu.pipeline_mode<synchronous>, transform_indices = @transform_2, window_bounds = array<i64: 128, 128>}, {transform_indices = @transform_3, window_bounds = array<i64: 2, 2048>}, {transform_indices = @transform_4, window_bounds = array<i64: 1600, 2048>}]} {
    %eq3A = arith.constant 0 : i32
    %eq3A_0 = arith.cmpi eq, %arg0, %eq3A : i32
    %convert_element_type3A = arith.extui %eq3A_0 : i1 to i32
    %cond3A = arith.constant 0 : i32
    %cond3A_1 = arith.cmpi ne, %convert_element_type3A, %cond3A : i32
    scf.if %cond3A_1 {
      %get3A_34 = arith.constant 0 : index
      %get3A_35 = arith.constant 0 : index
      %get3A_36 = vector.load %arg3[%get3A_34, %get3A_35] : memref<128x128xf32, #tpu.memory_space<vmem>>, vector<128x128xf32>
      %transpose3A = tpu.transpose %get3A_36, [1, 0] : vector<128x128xf32> -> vector<128x128xf32>
      %slice3A_37 = vector.extract_strided_slice %transpose3A {offsets = [0, 0], sizes = [16, 100], strides = [1, 1]} : vector<128x128xf32> to vector<16x100xf32>
      %iota3A = tpu.iota {dimensions = array<i32: 0>} : vector<1600x16xi32>
      %iota3A_38 = tpu.iota {dimensions = array<i32: 1>} : vector<1600x16xi32>
      %jit3A = arith.constant 16 : i32
      %eq3A_39 = arith.constant 0 : i32
      %eq3A_40 = arith.cmpi eq, %jit3A, %eq3A_39 : i32
      %jit3A_41 = arith.constant 1 : i32
      %select_n3A = arith.select %eq3A_40, %jit3A_41, %jit3A : i32
      %rem3A = vector.broadcast %select_n3A : i32 to vector<1600x16xi32>
      %rem3A_42 = arith.remsi %iota3A, %rem3A : vector<1600x16xi32>
      %ne3A = arith.constant 0 : i32
      %ne3A_43 = vector.broadcast %ne3A : i32 to vector<1600x16xi32>
      %ne3A_44 = arith.cmpi ne, %rem3A_42, %ne3A_43 : vector<1600x16xi32>
      %lt3A = arith.constant 0 : i32
      %lt3A_45 = vector.broadcast %lt3A : i32 to vector<1600x16xi32>
      %lt3A_46 = arith.cmpi slt, %rem3A_42, %lt3A_45 : vector<1600x16xi32>
      %lt3A_47 = arith.constant 0 : i32
      %lt3A_48 = arith.cmpi slt, %select_n3A, %lt3A_47 : i32
      %ne3A_49 = vector.broadcast %lt3A_48 : i1 to vector<1600x16xi1>
      %ne3A_50 = vector.broadcast %ne3A_49 : vector<1600x16xi1> to vector<1600x16xi1>
      %ne3A_51 = arith.xori %lt3A_46, %ne3A_50 : vector<1600x16xi1>
      %and3A = arith.andi %ne3A_51, %ne3A_44 : vector<1600x16xi1>
      %add3A = vector.broadcast %select_n3A : i32 to vector<1600x16xi32>
      %add3A_52 = arith.addi %rem3A_42, %add3A : vector<1600x16xi32>
      %select_n3A_53 = arith.select %and3A, %add3A_52, %rem3A_42 : vector<1600x16xi1>, vector<1600x16xi32>
      %eq3A_54 = arith.cmpi eq, %select_n3A_53, %iota3A_38 : vector<1600x16xi32>
      %convert_element_type3A_55 = arith.extui %eq3A_54 : vector<1600x16xi1> to vector<1600x16xi32>
      %convert_element_type3A_56 = arith.sitofp %convert_element_type3A_55 : vector<1600x16xi32> to vector<1600x16xf32>
      %dot_general3A_57 = arith.constant dense<0.000000e+00> : vector<1600x100xf32>
      %dot_general3A_58 = tpu.matmul %convert_element_type3A_56, %slice3A_37, %dot_general3A_57 {dimension_numbers = #tpu.dot_dimension_numbers<[1], [0], [0], [1], [0, 0, 1, 1], [], []>, transpose_lhs_hint = false} : vector<1600x16xf32>, vector<16x100xf32>, vector<1600x100xf32> -> vector<1600x100xf32>
      %iota3A_59 = tpu.iota {dimensions = array<i32: 0>} : vector<1600x100xi32>
      %jit3A_60 = arith.constant 16 : i32
      %div3A = vector.broadcast %jit3A_60 : i32 to vector<1600x100xi32>
      %div3A_61 = arith.divsi %iota3A_59, %div3A : vector<1600x100xi32>
      %sign3A = arith.constant 0 : i32
      %sign3A_62 = vector.broadcast %sign3A : i32 to vector<1600x100xi32>
      %sign3A_63 = arith.cmpi sgt, %iota3A_59, %sign3A_62 : vector<1600x100xi32>
      %sign3A_64 = arith.extui %sign3A_63 : vector<1600x100xi1> to vector<1600x100xi32>
      %sign3A_65 = arith.constant 0 : i32
      %sign3A_66 = vector.broadcast %sign3A_65 : i32 to vector<1600x100xi32>
      %sign3A_67 = arith.cmpi slt, %iota3A_59, %sign3A_66 : vector<1600x100xi32>
      %sign3A_68 = arith.extui %sign3A_67 : vector<1600x100xi1> to vector<1600x100xi32>
      %sign3A_69 = arith.subi %sign3A_64, %sign3A_68 : vector<1600x100xi32>
      %sign3A_70 = arith.constant 0 : i32
      %sign3A_71 = arith.cmpi sgt, %jit3A_60, %sign3A_70 : i32
      %sign3A_72 = arith.extui %sign3A_71 : i1 to i32
      %sign3A_73 = arith.constant 0 : i32
      %sign3A_74 = arith.cmpi slt, %jit3A_60, %sign3A_73 : i32
      %sign3A_75 = arith.extui %sign3A_74 : i1 to i32
      %sign3A_76 = arith.subi %sign3A_72, %sign3A_75 : i32
      %ne3A_77 = vector.broadcast %sign3A_76 : i32 to vector<1600x100xi32>
      %ne3A_78 = arith.cmpi ne, %sign3A_69, %ne3A_77 : vector<1600x100xi32>
      %rem3A_79 = vector.broadcast %jit3A_60 : i32 to vector<1600x100xi32>
      %rem3A_80 = arith.remsi %iota3A_59, %rem3A_79 : vector<1600x100xi32>
      %ne3A_81 = arith.constant 0 : i32
      %ne3A_82 = vector.broadcast %ne3A_81 : i32 to vector<1600x100xi32>
      %ne3A_83 = arith.cmpi ne, %rem3A_80, %ne3A_82 : vector<1600x100xi32>
      %and3A_84 = arith.andi %ne3A_78, %ne3A_83 : vector<1600x100xi1>
      %sub3A_85 = arith.constant 1 : i32
      %sub3A_86 = vector.broadcast %sub3A_85 : i32 to vector<1600x100xi32>
      %sub3A_87 = arith.subi %div3A_61, %sub3A_86 : vector<1600x100xi32>
      %select_n3A_88 = arith.select %and3A_84, %sub3A_87, %div3A_61 : vector<1600x100xi1>, vector<1600x100xi32>
      %iota3A_89 = tpu.iota {dimensions = array<i32: 1>} : vector<1600x100xi32>
      %eq3A_90 = arith.cmpi eq, %select_n3A_88, %iota3A_89 : vector<1600x100xi32>
      %jit3A_91 = arith.constant 0.000000e+00 : f32
      %broadcast_in_dim3A = vector.broadcast %jit3A_91 : f32 to vector<1600x100xf32>
      %select_n3A_92 = arith.select %eq3A_90, %dot_general3A_58, %broadcast_in_dim3A : vector<1600x100xi1>, vector<1600x100xf32>
      %convert_element_type3A_93 = arith.truncf %select_n3A_92 : vector<1600x100xf32> to vector<1600x100xbf16>
      %swap3A_94 = arith.constant 0 : index
      %swap3A_95 = arith.constant 0 : index
      %swap3A_96 = vector.load %arg6[%swap3A_94, %swap3A_95] : memref<1600x100xbf16, #tpu.memory_space<vmem>>, vector<1600x100xbf16>
      tpu.vector_store %arg6[%swap3A_94, %swap3A_95], %convert_element_type3A_93 {strides = array<i32>} : memref<1600x100xbf16, #tpu.memory_space<vmem>>, vector<1600x100xbf16>,
      %reduce_sum3A = arith.constant dense<0.000000e+00> : vector<100xf32>
      %reduce_sum3A_97 = vector.multi_reduction <add>, %slice3A_37, %reduce_sum3A [0] : vector<16x100xf32> to vector<100xf32>
      %broadcast_in_dim3A_98 = vector.shape_cast %reduce_sum3A_97 : vector<100xf32> to vector<1x100xf32>
      %mul3A_99 = arith.mulf %slice3A_37, %slice3A_37 : vector<16x100xf32>
      %reduce_sum3A_100 = arith.constant dense<0.000000e+00> : vector<100xf32>
      %reduce_sum3A_101 = vector.multi_reduction <add>, %mul3A_99, %reduce_sum3A_100 [0] : vector<16x100xf32> to vector<100xf32>
      %broadcast_in_dim3A_102 = vector.shape_cast %reduce_sum3A_101 : vector<100xf32> to vector<1x100xf32>
      %concatenate3A_103 = tpu.concatenate %broadcast_in_dim3A_98, %broadcast_in_dim3A_102 in 0 : vector<1x100xf32>, vector<1x100xf32> -> vector<2x100xf32>
      %swap3A_104 = arith.constant 0 : index
      %swap3A_105 = arith.constant 0 : index
      %swap3A_106 = vector.load %arg7[%swap3A_104, %swap3A_105] : memref<2x100xf32, #tpu.memory_space<vmem>>, vector<2x100xf32>
      tpu.vector_store %arg7[%swap3A_104, %swap3A_105], %concatenate3A_103 {strides = array<i32>} : memref<2x100xf32, #tpu.memory_space<vmem>>, vector<2x100xf32>,
    } else {
    }
    %get3A = arith.constant 0 : index
    %get3A_2 = arith.constant 0 : index
    %get3A_3 = vector.load %arg1[%get3A, %get3A_2] : memref<100x2048xf32, #tpu.memory_space<vmem>>, vector<100x2048xf32>
    %get3A_4 = arith.constant 0 : index
    %get3A_5 = arith.constant 0 : index
    %get3A_6 = vector.load %arg6[%get3A_4, %get3A_5] : memref<1600x100xbf16, #tpu.memory_space<vmem>>, vector<1600x100xbf16>
    %convert_element_type3A_7 = arith.truncf %get3A_3 : vector<100x2048xf32> to vector<100x2048xbf16>
    %dot_general3A = arith.constant dense<0.000000e+00> : vector<1600x2048xf32>
    %dot_general3A_8 = tpu.matmul %get3A_6, %convert_element_type3A_7, %dot_general3A {dimension_numbers = #tpu.dot_dimension_numbers<[1], [0], [0], [1], [0, 0, 1, 1], [], []>, transpose_lhs_hint = false} : vector<1600x100xbf16>, vector<100x2048xbf16>, vector<1600x2048xf32> -> vector<1600x2048xf32>
    %swap3A = arith.constant 0 : index
    %swap3A_9 = arith.constant 0 : index
    %swap3A_10 = vector.load %arg5[%swap3A, %swap3A_9] : memref<1600x2048xf32, #tpu.memory_space<vmem>>, vector<1600x2048xf32>
    tpu.vector_store %arg5[%swap3A, %swap3A_9], %dot_general3A_8 {strides = array<i32>} : memref<1600x2048xf32, #tpu.memory_space<vmem>>, vector<1600x2048xf32>,
    %get3A_11 = arith.constant 0 : index
    %get3A_12 = arith.constant 0 : index
    %get3A_13 = vector.load %arg2[%get3A_11, %get3A_12] : memref<1x100xf32, #tpu.memory_space<vmem>>, vector<1x100xf32>
    %get3A_14 = arith.constant 0 : index
    %get3A_15 = arith.constant 0 : index
    %get3A_16 = vector.load %arg7[%get3A_14, %get3A_15] : memref<2x100xf32, #tpu.memory_space<vmem>>, vector<1x100xf32>
    %concatenate3A = tpu.concatenate %get3A_13, %get3A_16 in 0 : vector<1x100xf32>, vector<1x100xf32> -> vector<2x100xf32>
    %dot_general3A_17 = arith.constant dense<0.000000e+00> : vector<2x2048xf32>
    %dot_general3A_18 = tpu.matmul %concatenate3A, %get3A_3, %dot_general3A_17 {dimension_numbers = #tpu.dot_dimension_numbers<[1], [0], [0], [1], [0, 0, 1, 1], [], []>, transpose_lhs_hint = false} : vector<2x100xf32>, vector<100x2048xf32>, vector<2x2048xf32> -> vector<2x2048xf32>
    %get3A_19 = arith.constant 1 : index
    %get3A_20 = arith.constant 0 : index
    %get3A_21 = vector.load %arg7[%get3A_19, %get3A_20] : memref<2x100xf32, #tpu.memory_space<vmem>>, vector<1x100xf32>
    %mul3A = arith.mulf %get3A_3, %get3A_3 : vector<100x2048xf32>
    %dot_general3A_22 = arith.constant dense<0.000000e+00> : vector<1x2048xf32>
    %dot_general3A_23 = tpu.matmul %get3A_21, %mul3A, %dot_general3A_22 {dimension_numbers = #tpu.dot_dimension_numbers<[1], [0], [0], [1], [0, 0, 1, 1], [], []>, transpose_lhs_hint = false} : vector<1x100xf32>, vector<100x2048xf32>, vector<1x2048xf32> -> vector<1x2048xf32>
    %slice3A = vector.extract_strided_slice %dot_general3A_18 {offsets = [1, 0], sizes = [1, 2048], strides = [1, 1]} : vector<2x2048xf32> to vector<1x2048xf32>
    %slice3A_24 = vector.extract_strided_slice %dot_general3A_18 {offsets = [1, 0], sizes = [1, 2048], strides = [1, 1]} : vector<2x2048xf32> to vector<1x2048xf32>
    %mul3A_25 = arith.mulf %slice3A, %slice3A_24 : vector<1x2048xf32>
    %sub3A = arith.subf %mul3A_25, %dot_general3A_23 : vector<1x2048xf32>
    %mul3A_26 = arith.constant 5.000000e-01 : f32
    %mul3A_27 = vector.broadcast %mul3A_26 : f32 to vector<1x2048xf32>
    %mul3A_28 = arith.mulf %mul3A_27, %sub3A : vector<1x2048xf32>
    %slice3A_29 = vector.extract_strided_slice %dot_general3A_18 {offsets = [0, 0], sizes = [1, 2048], strides = [1, 1]} : vector<2x2048xf32> to vector<1x2048xf32>
    %concatenate3A_30 = tpu.concatenate %slice3A_29, %mul3A_28 in 0 : vector<1x2048xf32>, vector<1x2048xf32> -> vector<2x2048xf32>
    %swap3A_31 = arith.constant 0 : index
    %swap3A_32 = arith.constant 0 : index
    %swap3A_33 = vector.load %arg4[%swap3A_31, %swap3A_32] : memref<2x2048xf32, #tpu.memory_space<vmem>>, vector<2x2048xf32>
    tpu.vector_store %arg4[%swap3A_31, %swap3A_32], %concatenate3A_30 {strides = array<i32>} : memref<2x2048xf32, #tpu.memory_space<vmem>>, vector<2x2048xf32>,
    return
  }
  func.func @transform_0(%arg0: i32) -> (i32, i32) {
    %c0_i32 = arith.constant 0 : i32
    %c0_i32_0 = arith.constant 0 : i32
    return %c0_i32, %arg0 : i32, i32
  }
  func.func @transform_1(%arg0: i32) -> (i32, i32) {
    %c0_i32 = arith.constant 0 : i32
    %c0_i32_0 = arith.constant 0 : i32
    %c0_i32_1 = arith.constant 0 : i32
    return %c0_i32, %c0_i32_0 : i32, i32
  }
  func.func @transform_2(%arg0: i32) -> (i32, i32) {
    %c0_i32 = arith.constant 0 : i32
    %c0_i32_0 = arith.constant 0 : i32
    %c0_i32_1 = arith.constant 0 : i32
    return %c0_i32, %c0_i32_0 : i32, i32
  }
  func.func @transform_3(%arg0: i32) -> (i32, i32) {
    %c0_i32 = arith.constant 0 : i32
    %c0_i32_0 = arith.constant 0 : i32
    return %c0_i32, %arg0 : i32, i32
  }
  func.func @transform_4(%arg0: i32) -> (i32, i32) {
    %c0_i32 = arith.constant 0 : i32
    %c0_i32_0 = arith.constant 0 : i32
    return %c0_i32, %arg0 : i32, i32
  }
}

</mosaic_0001>

<sc_bundles>
// kernel: kernel.4.cloned.1.call-start
scs
__scs_entry_jumppad:
0x0: {  	(pc) =	sbr.rel $0x88, $3  }
0x1: {  	(tag) =	ssettag $0x0;
	lr =	simm.s32 $0x1  }
0x2: {  	[smem:$0x3F9D] =	sst lr;
	_ =	strace $0xD0000000  }
0x3: {  	_ = 	snop  }
0x4: {  	_ = 	snop  }
0x5: {  	_ = 	snop  }
0x6: {  	_ = 	snop  }
0x7: {  	_ = 	snop  }
__scs_overlays_trampoline_lowered:
0x8: {  	[smem:$0x3FAC] =	sst s0  }
0x9: {  	[smem:$0x3FAD] =	sst s1  }
0xa: {  	[smem:$0x3FAE] =	sst s2  }
0xb: {  	[smem:$0x3FAF] =	sst s3  }
0xc: {  	[smem:$0x3FB0] =	sst s4  }
0xd: {  	[smem:$0x3FB1] =	sst s5  }
0xe: {  	[smem:$0x3FB2] =	sst s6  }
0xf: {  	[smem:$0x3FB3] =	sst s7  }
0x10: {  	[smem:$0x3FB4] =	sst s8  }
0x11: {  	[smem:$0x3FB5] =	sst s9;
	s0 =	simm.s32 @!p0 $0x0  }
0x12: {  	s1 =	sld [smem:$0x3F9B];
	s0 =	simm.s32 @p0 $0x1  }
0x13: {  	[smem:$0x3FB6] =	sst s0;
	s0 =	simm.s32 @!p1 $0x0  }
0x14: {  	s2 =	sld [smem:$0x3F9A];
	s0 =	simm.s32 @p1 $0x1  }
0x15: {  	[smem:$0x3FB7] =	sst s0;
	s0 =	simm.s32 @!p2 $0x0  }
0x16: {  	s3 =	sld [smem:$0x3FDB];
	s0 =	simm.s32 @p2 $0x1  }
0x17: {  	s4 =	simm.s32 $0x1BF5;
	[smem:$0x3FB9] =	sst s0  }
0x18: {  	s0 =	sld [smem:$0x3F9C];
	_ =	swait.ge [sflag:s4], $0x0  }
0x19: {  	s7 =	sld [smem:$0x3F9D]  }
0x1a: {  	s8 =	sadd.s32 $0xFFFFE003, lr  }
0x1b: {  	s9 =	sadd.s32 $0xFFFFFEF7, lr;
	s5 =	simm.s32 $0xFFFFFFFF;
	p2 =	slt.u32 s8, $0xFFFFF086  }
0x1c: {  	p1 =	slt.u32 s9, $0xF7A;
	s5 =	simm.s32 @!p2 $0x0  }
0x1d: {  	s5 =	simm.s32 @p1 $0x1;
	p0 =	seq.s32 s7, s2  }
0x1e: {  	s7 =	smul.u32 @!p0 $0xF7A, s2;
	p2 =	seq.s32 @!p0 s5, $0x0  }
0x1f: {  	s9 =	smul.u32 $0xF7A, s1;
	s8 =	simm.s32 @!p0 $0x1BF5;
	p2 =	por !p2, p0  }
0x20: {  	[sflag:s8] =	ssyncset.s32 @!p0 $0xFFFFF086;
	s6 =	sadd.s32 @!p0 s3, s7;
	s7 =	simm.s32 @!p0 $0x108  }
0x21: {  	s3 =	sadd.s32 s3, s9;
	s6 =	sadd.s32 @!p0 $0x88, s6;
	s7 =	simm.s32 @p2 $0x1082  }
0x22: {  	[simem:s7], [sflag:s8] =	dma.local @!p0 [hbm:s6], $0xF7A  }
0x23: {  	s9 =	sor.u32 $0xD0000000, s2;
	s6 =	simm.s32 $0x108;
	_ =	swait.ge @!p0 [sflag:s8], $0x0  }
0x24: {  	s3 =	sadd.s32 $0x88, s3;
	s6 =	simm.s32 @!p1 $0x1082;
	[sflag:s4] =	ssyncset.s32 $0xFFFFF086  }
0x25: {  	[simem:s6], [sflag:s4] =	dma.local [hbm:s3], $0xF7A  }
0x26: {  	[smem:$0x3F9D] =	sst s1;
	(tag) =	ssettag s2;
	_ =	strace s9  }
0x27: {  	s1 =	sld [smem:$0x3FAD]  }
0x28: {  	s2 =	sld [smem:$0x3FAE]  }
0x29: {  	s4 =	sld [smem:$0x3FB0]  }
0x2a: {  	p0 =	seq.s32 s5, $0x0;
	s5 =	sld [smem:$0x3FB1]  }
0x2b: {  	s6 =	sld [smem:$0x3FB2]  }
0x2c: {  	s7 =	sld [smem:$0x3FB3]  }
0x2d: {  	s3 =	simm.s32 $0x108;
	s8 =	sld [smem:$0x3FB4]  }
0x2e: {  	s3 =	simm.s32 @!p0 $0x1082;
	s9 =	sld [smem:$0x3FB5]  }
0x2f: {  	lr =	sadd.s32 s0, s3;
	s0 =	sld [smem:$0x3FAC]  }
0x30: {  	s3 =	sld [smem:$0x3FAF]  }
0x31: {  	[smem:$0x3FB8] =	sst s10  }
0x32: {  	s10 =	sld [smem:$0x3FB6];
	_ =	sdelay $0x3  }
0x33: {  	p0 =	seq.s32 s10, $0x1;
	s10 =	sld [smem:$0x3FB8];
	_ =	sdelay $0x3  }
0x34: {  	[smem:$0x3FB8] =	sst s10  }
0x35: {  	s10 =	sld [smem:$0x3FB7];
	_ =	sdelay $0x3  }
0x36: {  	p1 =	seq.s32 s10, $0x1;
	s10 =	sld [smem:$0x3FB8];
	_ =	sdelay $0x3  }
0x37: {  	[smem:$0x3FB8] =	sst s10  }
0x38: {  	s10 =	sld [smem:$0x3FB9]  }
0x39: {  	_ = 	snop;
	(pc) =	sbr.ind lr, $3  }
0x3a: {  	_ = 	snop  }
0x3b: {  	_ = 	snop  }
0x3c: {  	p2 =	seq.s32 s10, $0x1;
	s10 =	sld [smem:$0x3FB8]  }
0x3d: {  	_ =	shalt  }
0x3e: {  	_ =	shalt  }
0x3f: {  	_ =	shalt  }
0x40: {  	_ =	shalt  }
0x41: {  	_ =	shalt  }
0x42: {  	_ =	shalt  }
0x43: {  	_ =	shalt  }
0x44: {  	_ =	shalt  }
0x45: {  	_ =	shalt  }
0x46: {  	_ =	shalt  }
0x47: {  	_ =	shalt  }
0x48: {  	_ =	shalt  }
0x49: {  	_ =	shalt  }
0x4a: {  	_ =	shalt  }
0x4b: {  	_ =	shalt  }
0x4c: {  	_ =	shalt  }
0x4d: {  	_ =	shalt  }
0x4e: {  	_ =	shalt  }
0x4f: {  	_ =	shalt  }
0x50: {  	_ =	shalt  }
0x51: {  	_ =	shalt  }
0x52: {  	_ =	shalt  }
0x53: {  	_ =	shalt  }
0x54: {  	_ =	shalt  }
0x55: {  	_ =	shalt  }
0x56: {  	_ =	shalt  }
0x57: {  	_ =	shalt  }
0x58: {  	_ =	shalt  }
0x59: {  	_ =	shalt  }
0x5a: {  	_ =	shalt  }
0x5b: {  	_ =	shalt  }
0x5c: {  	_ =	shalt  }
0x5d: {  	_ =	shalt  }
0x5e: {  	_ =	shalt  }
0x5f: {  	_ =	shalt  }
0x60: {  	_ =	shalt  }
0x61: {  	_ =	shalt  }
0x62: {  	_ =	shalt  }
0x63: {  	_ =	shalt  }
0x64: {  	_ =	shalt  }
0x65: {  	_ =	shalt  }
0x66: {  	_ =	shalt  }
0x67: {  	_ =	shalt  }
0x68: {  	_ =	shalt  }
0x69: {  	_ =	shalt  }
0x6a: {  	_ =	shalt  }
0x6b: {  	_ =	shalt  }
0x6c: {  	_ =	shalt  }
0x6d: {  	_ =	shalt  }
0x6e: {  	_ =	shalt  }
0x6f: {  	_ =	shalt  }
0x70: {  	_ =	shalt  }
0x71: {  	_ =	shalt  }
0x72: {  	_ =	shalt  }
0x73: {  	_ =	shalt  }
0x74: {  	_ =	shalt  }
0x75: {  	_ =	shalt  }
0x76: {  	_ =	shalt  }
0x77: {  	_ =	shalt  }
0x78: {  	_ =	shalt  }
0x79: {  	_ =	shalt  }
0x7a: {  	_ =	shalt  }
0x7b: {  	_ =	shalt  }
0x7c: {  	_ =	shalt  }
0x7d: {  	_ =	shalt  }
0x7e: {  	_ =	shalt  }
0x7f: {  	_ =	shalt  }
0x80: {  	_ =	shalt  }
0x81: {  	_ =	shalt  }
0x82: {  	_ =	shalt  }
0x83: {  	_ =	shalt  }
0x84: {  	_ =	shalt  }
0x85: {  	_ =	shalt  }
0x86: {  	_ =	shalt  }
0x87: {  	_ =	shalt  }
.Lfunc_end0:
.L_simem_size_0:
called_computation_lowered:
.L_overlay_start_0:
0x88: {  	s2 =	sld [smem:$0x3FD9]  }
0x89: {  	s3 =	sld [smem:$0x3FFE];
	_ =	sdelay $0x1  }
0x8a: {  	s1 =	srdreg.scid  }
0x8b: {  	s0 =	sand.u32 $0x1, s1  }
0x8c: {  	s14 =	sshll.u32 s0, $0xA;
	s2 =	sadd.s32 s3, s2  }
0x8d: {  	s2 =	sadd.s32 s2, s14  }
0x8e: {  	[smem:$0x3FC4] =	sst s2  }
0x8f: {  	_ = 	snop  }
0x90: {  	s2 =	sld [smem:$0x3FD0];
	_ =	sdelay $0x2  }
0x91: {  	s15 =	simm.s32 $0xA;
	s4 =	simm.s32 $0x10  }
0x92: {  	[smem:s4], [sflag:s15] =	dma.local [hbm:s2], $0x1  }
0x93: {  	_ =	swait.eq [sflag:s15], $0x1  }
0x94: {  	[sflag:s15] =	ssyncset.done $0x0  }
0x95: {  	s16 =	sld [smem:$0x10];
	[sflag:s15] =	ssyncadd.s32 $0xFFFFFFFF  }
0x96: {  	s17 =	sld [smem:$0x11];
	(tm) =	ssettm $0x1  }
0x97: {  	s18 =	sld [smem:$0x3FFB];
	_ =	sdelay $0x3  }
0x98: {  	_ =	strace s18  }
0x99: {  	s4 =	sld [smem:$0x3FFC];
	_ =	sdelay $0x3  }
0x9a: {  	_ =	strace s4  }
0x9b: {  	s4 =	sld [smem:$0x3FFD];
	_ =	sdelay $0x3  }
0x9c: {  	_ =	strace s4  }
0x9d: {  	_ =	strace $0x8FFFFFFF  }
0x9e: {  	s19 =	sld [smem:$0x3FDB];
	_ =	sdelay $0x1  }
0x9f: {  	s5 =	simm.s32 $_scs_section_size  }
0xa0: {  	s6 =	simm.s32 $_size__tile_overlayer_lowered;
	s7 =	simm.s32 $_tile_overlayer_lowered  }
0xa1: {  	s22 =	simm.s32 $0x1BFF;
	s21 =	sshll.u32 s7, $0x1;
	s4 =	sadd.s32 s5, s19  }
0xa2: {  	s8 =	simm.s32 $0x0;
	s20 =	sshll.u32 s6, $0x1;
	s6 =	sadd.s32 s21, s4  }
0xa3: {  	[timem:s8], [sflag:s22] =	dma.local [hbm:s6], s20  }
0xa4: {  	_ =	swait.ge [sflag:s22], s20  }
0xa5: {  	s5 =	ssub.s32 $0x0, s20;
	[sflag:s22] =	ssyncset.done $0x0  }
0xa6: {  	[sflag:s22] =	ssyncadd.s32 s5;
	_ =	sdelay $0x1  }
0xa7: {  	s23 =	simm.s32 $0x1B8B  }
0xa8: {  	_ =	swait.ge [sflag:s23], $0x1  }
0xa9: {  	[sflag:s23] =	ssyncset.done $0x0  }
0xaa: {  	s25 =	simm.s32 $0x1B8E;
	s24 =	sld [smem:$0x3FFE];
	[sflag:s23] =	ssyncadd.s32 $0xFFFFFFFF  }
0xab: {  	s26 =	simm.s32 $execute0_lowered;
	[smem:$0x3FD2] =	sst s25  }
0xac: {  	s6 =	sshll.u32 s26, $0x1;
	_ =	strace $0x80000046;
	[dreg:$0x1] =	wrdreg $0xFFFFFFFF  }
0xad: {  	s28 =	simm.s32 $_size_execute0_lowered;
	s4 =	sadd.s32 s4, s6;
	[dreg:$0x0] =	wrdreg $0x0  }
0xae: {  	s6 =	sshll.u32 s28, $0x1;
	[dreg:$0x2] =	wrdreg s4  }
0xaf: {  	[dreg:$0x3] =	wrdreg s6  }
0xb0: {  	[dreg:$0x4] =	wrdreg $0xC0  }
0xb1: {  	_ =	task [dreg:s8], $0x5FFFF  }
0xb2: {  	[dreg:$0x1] =	wrdreg $0xFFFFFFFF  }
0xb3: {  	[dreg:$0x0] =	wrdreg $0x60  }
0xb4: {  	[dreg:$0x2] =	wrdreg s17  }
0xb5: {  	[dreg:$0x3] =	wrdreg s24  }
0xb6: {  	[dreg:$0x4] =	wrdreg s16  }
0xb7: {  	[dreg:$0x5] =	wrdreg $0x9  }
0xb8: {  	_ =	task.clear_ibuf [dreg:s8], $0x6FFFF;
	_ =	strace $0x90000046  }
0xb9: {  	s29 =	simm.s32 $0x9;
	_ =	strace $0x80000048  }
0xba: {  	_ =	swait.ge [sflag:s29], $0x1  }
0xbb: {  	[sflag:s29] =	ssyncadd.s32 $0xFFFFFFFF  }
0xbc: {  	_ =	strace $0x90000048  }
0xbd: {  	_ =	sfence  }
0xbe: {  	s30 =	sld [smem:$0x0];
	_ =	sdelay $0x2  }
0xbf: {  	s31 =	sshll.u32 s1, $0xD;
	s1 =	sshrl.u32 s1, $0x2  }
0xc0: {  	s3 =	sand.u32 $0x4000, s31;
	s1 =	sadd.s32 s1, s30  }
0xc1: {  	s0 =	sor.u32 s3, s0;
	s1 =	sshll.u32 s1, $0x11  }
0xc2: {  	s0 =	sor.u32 s1, s0  }
0xc3: {  	s0 =	sadd.s32 $0x8F2B, s0  }
0xc4: {  	[sflag:s0] =	ssyncadd.remote.s32 $0x1  }
0xc5: {  	_ =	sfence.sel $0xFFFF  }
0xc6: {  	[dreg:$0x0] =	wrdreg $0xFFFFFFFF;
	(pc) =	sbr.abs _section_cstart, $3  }
0xc7: {  	[dreg:$0x1] =	wrdreg $0xFFFFFFFF  }
0xc8: {  	_ =	task.clear_ibuf [dreg:s8], $0x2FFFF;
	_ =	strace $0x9FFFFFFF  }
0xc9: {  	(tm) =	ssettm $0x7FFFFFFF  }
tec
execute0_lowered:
.L_overlay_start_1:
0x0: {  	(tag) =	ssettag $0x1  }
0x1: {  	s1 =	stileid.u32  }
0x2: {  	p0 =	sgt.u32 s1, $0x7  }
.Ltmp0:
0x3: {  	s2 =	rddreg [dreg:$0x0];
	(pc) =	sbr.rel @p0 .LBB2_4-.Ltmp0, $4  }
0x4: {  	s4 =	rddreg [dreg:$0x1]  }
0x5: {  	s9 =	rddreg [dreg:$0x2];
	s3 =	simm.s32 $0x0  }
0x6: {  	[smem:$0x7FF] =	sst s3  }
0x7: {  	s0 =	rddreg [dreg:$0x3];
	_ =	strace $0x80000047  }
0x8: {  	s5 =	srdreg.scid  }
0x9: {  	s30 =	sshll.u32 s1, $0x1;
	s6 =	sand.u32 $0x1, s5  }
0xa: {  	s4 =	sadd.s32 $0xC00, s4;
	s10 =	sor.u32 s6, s30  }
0xb: {  	s11 =	ssub.s32 $0x2, s6;
	s5 =	sadd.s32 s4, s10;
	s4 =	simm.s32 $0x2  }
0xc: {  	[tilespmem:s3], [sflag:$0x2] =	stream.linear.gather [hbm4b:s5+s3], $0x8, $0x38;
	[tilespmem:$0x480] =	vst v63  }
0xd: {  	s7 =	simm.s32 $0x80;
	s12 =	sshrl.u32 s11, $0x1;
	_ =	swait.ge [sflag:s4], $0x8  }
0xe: {  	s8 =	simm.s32 $0x1;
	s11 =	ssub.s32 s11, s12;
	[sflag:s4] =	ssyncset.done $0x0  }
0xf: {  	s6 =	simm.s32 $0x8;
	s31 =	smax.u32 s11, $0x1;
	[sflag:s4] =	ssyncadd.s32 $0xFFFFFFF8  }
0x10: {  	[tilespmem:s7], [sflag:$0x1] =	stream.indirect.gather [hbm4b:s2+s6], $0x80, s3, s6, $0xb8;
	[tilespmem:$0x480] =	vst v63  }
0x11: {  	p0 =	sne.s32 s31, $0x1;
	_ =	swait.ge [sflag:s8], $0x400  }
.Ltmp1:
0x12: {  	s10 =	sshll.u32 s10, $0x7;
	[sflag:s8] =	ssyncset.done $0x0;
	(pc) =	sbr.rel @!p0 .LBB2_3-.Ltmp1, $4  }
0x13: {  	s9 =	sadd.s32 s9, s10;
	[sflag:s8] =	ssyncadd.s32 $0xFFFFFC00  }
0x14: {  	[hbm4b:s9+s3] =	stream.linear.scatter [tilespmem:s7], [sflag:$0x2], $0x400, $0x38;
	[tilespmem:$0x480] =	vst v63  }
0x15: {  	_ =	swait.ge [sflag:s4], $0x400  }
0x16: {  	s10 =	sadd.s32 $0xFFFFFFFF, s31;
	[sflag:s4] =	ssyncset.done $0x0  }
.LBB2_2:
0x17: {  	p0 =	sne.s32 s10, $0x1;
	s10 =	sadd.s32 $0xFFFFFFFF, s10;
	[sflag:s4] =	ssyncadd.s32 $0xFFFFFC00  }
0x18: {  	[tilespmem:s3], [sflag:$0x2] =	stream.linear.gather [hbm4b:s5+s3], $0x8, $0x38;
	[tilespmem:$0x480] =	vst v63  }
0x19: {  	_ =	swait.ge [sflag:s4], $0x8  }
0x1a: {  	[sflag:s4] =	ssyncset.done $0x0  }
0x1b: {  	[sflag:s4] =	ssyncadd.s32 $0xFFFFFFF8  }
0x1c: {  	[tilespmem:s7], [sflag:$0x1] =	stream.indirect.gather [hbm4b:s2+s6], $0x80, s3, s6, $0xb8;
	[tilespmem:$0x480] =	vst v63  }
0x1d: {  	_ =	swait.ge [sflag:s8], $0x400  }
.Ltmp2:
0x1e: {  	[sflag:s8] =	ssyncset.done $0x0;
	(pc) =	sbr.rel @p0 .LBB2_2-.Ltmp2, $4  }
0x1f: {  	[sflag:s8] =	ssyncadd.s32 $0xFFFFFC00  }
0x20: {  	[hbm4b:s9+s3] =	stream.linear.scatter [tilespmem:s7], [sflag:$0x2], $0x400, $0x38;
	[tilespmem:$0x480] =	vst v63  }
0x21: {  	_ =	swait.ge [sflag:s4], $0x400  }
0x22: {  	[sflag:s4] =	ssyncset.done $0x0  }
.LBB2_3:
0x23: {  	[sflag:s4] =	ssyncadd.s32 $0xFFFFFC00  }
.LBB2_4:
0x24: {  	_ =	sfence.sel $0x180000  }
0x25: {  	[bflag:$0x0] =	sbarrier.arrive $0xFFFF  }
0x26: {  	p0 =	sne.s32 s1, $0x0;
	_ =	strace $0x90000047  }
0x27: {  	s0 =	sadd.s32 @!p0 $0x100000, s0;
	[bflag:$0x2] =	sbarrier.arrive $0xFFFF  }
0x28: {  	[sflag:s0] =	ssyncadd.tile.s32 @!p0 $0x1;
	_ =	shalt  }
.Lfunc_end2:
_tile_overlayer_lowered:
.L_overlay_start_2:
0x29: {  	(tag) =	ssettag $0x2  }
0x2a: {  	s0 =	rddreg [dreg:$0x0];
	s2 =	stileid.u32  }
0x2b: {  	s1 =	rddreg [dreg:$0x1];
	p0 =	sne.s32 s2, $0x0  }
0x2c: {  	s3 =	rddreg [dreg:$0x2];
	[bflag:$0x3] =	sbarrier.arrive $0xFFFF;
	s2 =	simm.s32 @!p0 $0x1C02  }
0x2d: {  	[timem:s3], [sflag:s2] =	dma.local @!p0 [hbm:s0], s1  }
0x2e: {  	s0 =	simm.s32 @!p0 $0x2  }
0x2f: {  	_ =	swait.ge @!p0 [sflag:s0], s1  }
0x30: {  	s1 =	ssub.s32 @!p0 $0x0, s1;
	[sflag:s0] =	ssyncset.done @!p0 $0x0  }
0x31: {  	[sflag:s0] =	ssyncadd.s32 @!p0 s1  }
0x32: {  	[bflag:$0x3] =	sbarrier.arrive $0xFFFF  }
0x33: {  	_ =	shalt  }

</sc_bundles>
